<compile_context>
chip_gen: v7x
topology: tpu7x:2x2x1
jax: 0.10.2.dev20260603
libtpu: 0.0.44.dev20260713+nightly
codegen_flags: <defaults>
</compile_context>

<pallas_src>
import functools

import jax
import jax.numpy as jnp
from jax import lax
from jax.experimental import pallas as pl
from jax.experimental.pallas import tpu as pltpu
from jax.experimental.pallas import tpu_sc as plsc

_B = 4096
_D = 776
_DPAD = 896
_K = 18000
_KBLK = 368
_SUBS = 7
_CHUNK = _KBLK * _SUBS
_NBLK = 49
_IMAX = 2**31 - 1


def _bf16_round(x):
    return x.astype(jnp.bfloat16).astype(jnp.float32)


def _argmin_body(zf_ref, zsq_ref, emb_ref, sqn_ref, embn_ref, idx_ref,
                 loss_ref, cm_ref, ci_ref, gm_ref, gde_ref):
    step = pl.program_id(0)
    sub = lax.rem(step, _SUBS)
    chunk = lax.div(step, _SUBS)

    emb = emb_ref[...]
    embn_ref[...] = jnp.concatenate(
        [emb, jnp.zeros((_KBLK, _DPAD - _D), jnp.float32)], axis=1)

    scores = lax.dot_general(zf_ref[...], emb, (((1,), (1,)), ((), ())),
                             preferred_element_type=jnp.float32)
    col = lax.broadcasted_iota(jnp.int32, (_B, _KBLK), 1) + step * _KBLK
    srow = sqn_ref[pl.ds(step, 1), :]
    d = (zsq_ref[...] + srow) - 2.0 * scores
    d = jnp.where(col < _K, d, jnp.float32(jnp.inf))
    m = jnp.min(d, axis=1, keepdims=True)
    li = jnp.min(jnp.where(d == m, col, jnp.int32(_IMAX)), axis=1, keepdims=True)

    @pl.when(sub == 0)
    def _():
        cm_ref[...] = m
        ci_ref[...] = li

    @pl.when(sub > 0)
    def _():
        upd = m < cm_ref[...]
        ci_ref[...] = jnp.where(upd, li, ci_ref[...])
        cm_ref[...] = jnp.where(upd, m, cm_ref[...])

    @pl.when(sub == _SUBS - 1)
    def _():
        @pl.when(chunk == 0)
        def _():
            gm_ref[...] = _bf16_round(cm_ref[...])
            gde_ref[...] = cm_ref[...]
            idx_ref[...] = ci_ref[...]

        @pl.when(chunk > 0)
        def _():
            upd = cm_ref[...] < gm_ref[...]
            idx_ref[...] = jnp.where(upd, ci_ref[...], idx_ref[...])
            gde_ref[...] = jnp.where(upd, cm_ref[...], gde_ref[...])
            gm_ref[...] = _bf16_round(jnp.where(upd, cm_ref[...], gm_ref[...]))

    @pl.when(step == _NBLK - 1)
    def _():
        loss_ref[...] = 2.0 * jnp.sum(gde_ref[...], keepdims=True) / (_B * _D)


def _stage1(zf, zsq, emb, sqn):
    return pl.pallas_call(
        _argmin_body,
        grid=(_NBLK,),
        in_specs=[
            pl.BlockSpec((_B, _D), lambda k: (0, 0)),
            pl.BlockSpec((_B, 1), lambda k: (0, 0)),
            pl.BlockSpec((_KBLK, _D), lambda k: (k, 0)),
            pl.BlockSpec((_NBLK, _KBLK), lambda k: (0, 0)),
        ],
        out_specs=[
            pl.BlockSpec((_KBLK, _DPAD), lambda k: (k, 0)),
            pl.BlockSpec((_B, 1), lambda k: (0, 0)),
            pl.BlockSpec((1, 1), lambda k: (0, 0)),
        ],
        out_shape=[
            jax.ShapeDtypeStruct((_K, _DPAD), jnp.float32),
            jax.ShapeDtypeStruct((_B, 1), jnp.int32),
            jax.ShapeDtypeStruct((1, 1), jnp.float32),
        ],
        scratch_shapes=[
            pltpu.VMEM((_B, 1), jnp.float32),
            pltpu.VMEM((_B, 1), jnp.int32),
            pltpu.VMEM((_B, 1), jnp.float32),
            pltpu.VMEM((_B, 1), jnp.float32),
        ],
        compiler_params=pltpu.CompilerParams(
            dimension_semantics=("arbitrary",)),
    )(zf, zsq, emb, sqn)


def _sc_gather(table, idx):
    mesh = plsc.VectorSubcoreMesh(core_axis_name="c", subcore_axis_name="s")
    nw = mesh.num_cores * mesh.num_subcores
    bpw = _B // nw

    @functools.partial(
        pl.kernel,
        out_type=jax.ShapeDtypeStruct((_B, _DPAD), jnp.float32),
        mesh=mesh,
        scratch_types=[
            pltpu.VMEM((bpw,), jnp.int32),
            pltpu.VMEM((bpw, _DPAD), jnp.float32),
            pltpu.SemaphoreType.DMA,
        ],
    )
    def gather_kernel(table_hbm, idx_hbm, out_hbm, idx_v, rows_v, sem):
        wid = lax.axis_index("s") * mesh.num_cores + lax.axis_index("c")
        base = wid * bpw
        pltpu.sync_copy(idx_hbm.at[pl.ds(base, bpw)], idx_v)
        pltpu.async_copy(table_hbm.at[idx_v], rows_v, sem).wait()
        pltpu.sync_copy(rows_v, out_hbm.at[pl.ds(base, bpw)])

    return gather_kernel(table, idx)


def kernel(text_features, graph_features, codebook):
    z = jnp.concatenate([text_features, graph_features], axis=-1)
    zf = z / jnp.clip(jnp.linalg.norm(z, axis=-1, keepdims=True), 1e-12)
    emb = codebook / jnp.clip(jnp.linalg.norm(codebook, axis=-1, keepdims=True), 1e-12)
    zsq = jnp.sum(zf ** 2, axis=1, keepdims=True)
    sqn = jnp.pad(jnp.sum(emb ** 2, axis=1),
                  (0, _NBLK * _KBLK - _K)).reshape(_NBLK, _KBLK)
    embn, idx2, loss = _stage1(zf, zsq, emb, sqn)
    idx = idx2.reshape(_B)
    quant = _sc_gather(embn, idx)[:, :_D]
    return quant, loss[0, 0], idx

# --- scband reference (transcript-rebuilt; emitter-appended) ---
"""Pipeline reference for scband-multimodal-tokenizer-88811333747154 (READ-ONLY COPY).

The authoritative reference and input builder live on the scoring server;
editing this copy changes nothing except your own understanding.
"""

import jax, jax.numpy as jnp
import numpy as np

B = 4096
TEXT_DIM = 768
GRAPH_DIM = 8
CODE_DIM = TEXT_DIM + GRAPH_DIM  # 776
CODEBOOK_SIZE = 18000
BETA = 1.0


def _l2norm(x):
    return x / jnp.clip(jnp.linalg.norm(x, axis=-1, keepdims=True), 1e-12)


def setup_inputs(seed: int = 0) -> dict:
    key = jax.random.key(seed)
    k1, k2, k3 = jax.random.split(key, 3)
    return {
        "text_features": jax.random.normal(k1, (B, TEXT_DIM), dtype=jnp.float32),
        "graph_features": jax.random.normal(k2, (B, GRAPH_DIM), dtype=jnp.float32),
        "codebook": jax.random.normal(k3, (CODEBOOK_SIZE, CODE_DIM), dtype=jnp.float32) * 0.02,
    }


def reference(text_features, graph_features, codebook):
    # MultimodalTokenizer.quant: concat text + graph features, then VectorQuantizer
    z = jnp.concatenate([text_features, graph_features], axis=-1)  # [B, 776]
    # l2_norm=True: normalize both inputs and codebook before nearest-neighbor search
    zf = _l2norm(z)
    emb = _l2norm(codebook)
    # squared L2 distances to all codebook entries
    d = (jnp.sum(zf ** 2, axis=1, keepdims=True)
         + jnp.sum(emb ** 2, axis=1)[None, :]
         - 2.0 * (zf @ emb.T))  # [B, K]
    min_encoding_indices = jnp.argmin(d, axis=1)  # [B]
    z_q = jnp.take(emb, min_encoding_indices, axis=0)  # [B, 776]
    # VQ losses (entropy_loss_ratio = 0.0, so no entropy term)
    commit_loss = BETA * jnp.mean((jax.lax.stop_gradient(z_q) - zf) ** 2)
    vq_loss = jnp.mean((z_q - jax.lax.stop_gradient(zf)) ** 2)
    emb_loss = vq_loss + commit_loss
    # straight-through estimator
    quant = zf + jax.lax.stop_gradient(z_q - zf)
    return quant, emb_loss, min_encoding_indices

if __name__ == "__main__":
    import jax
    _d = setup_inputs()
    print(jax.jit(kernel)(*tuple(_d.values())))

</pallas_src>

<mosaic_0001>
#map = affine_map<(d0, d1) -> (0, 0)>
#map1 = affine_map<(d0, d1) -> (0)>
module attributes {stable_mosaic.version = 14 : i64} {
  func.func @gather_kernel(%arg0: i32, %arg1: i32, %arg2: memref<18000x896xf32, #tpu.memory_space<hbm>>, %arg3: memref<4096xi32, #tpu.memory_space<hbm>>, %arg4: memref<4096x896xf32, #tpu.memory_space<hbm>>, %arg5: memref<128xi32, #tpu.memory_space<vmem>>, %arg6: memref<128x896xf32, #tpu.memory_space<vmem>>, %arg7: memref<!tpu.dma_semaphore, #tpu.memory_space<semaphore_mem>>) attributes {dimension_semantics = [#tpu.dimension_semantics<core_parallel>, #tpu.dimension_semantics<subcore_parallel>], iteration_bounds = array<i64: 2, 16>, scalar_prefetch = 0 : i64, scratch_operands = 3 : i64, tpu.core_type = #tpu.core_type<sc_vector_subcore>, window_params = [{transform_indices = #map}, {transform_indices = #map1}, {transform_indices = #map}]} {
    %mul3A = arith.constant 2 : i32
    %mul3A_0 = arith.muli %arg1, %mul3A : i32
    %add3A = arith.addi %mul3A_0, %arg0 : i32
    %mul3A_1 = arith.constant 128 : i32
    %mul3A_2 = arith.muli %add3A, %mul3A_1 : i32
    "tpu.region"() ({
      %run_scoped3A = tpu.sem_alloc : memref<!tpu.dma_semaphore, #tpu.memory_space<semaphore_mem>>
      %dma_start3A_7 = tpu.memref_slice %arg3[%mul3A_2] : memref<4096xi32, #tpu.memory_space<hbm>> -> memref<128xi32, #tpu.memory_space<hbm>>
      %dma_start3A_8 = tpu.memref_slice %arg3[%mul3A_2] : memref<4096xi32, #tpu.memory_space<hbm>> -> memref<128xi32, #tpu.memory_space<hbm>>
      tpu.enqueue_dma source(%dma_start3A_8 : memref<128xi32, #tpu.memory_space<hbm>>) target(%arg5 : memref<128xi32, #tpu.memory_space<vmem>>) target_semaphore(%run_scoped3A : memref<!tpu.dma_semaphore, #tpu.memory_space<semaphore_mem>>)
      %dma_wait3A_9 = tpu.memref_slice %arg3[%mul3A_2] : memref<4096xi32, #tpu.memory_space<hbm>> -> memref<128xi32, #tpu.memory_space<hbm>>
      %dma_wait3A_10 = tpu.memref_slice %arg3[%mul3A_2] : memref<4096xi32, #tpu.memory_space<hbm>> -> memref<128xi32, #tpu.memory_space<hbm>>
      tpu.wait_dma2 semaphore(%run_scoped3A : memref<!tpu.dma_semaphore, #tpu.memory_space<semaphore_mem>>) src(%dma_wait3A_10 : memref<128xi32, #tpu.memory_space<hbm>>) dst(%arg5 : memref<128xi32, #tpu.memory_space<vmem>>)
      tpu.yield
    }) : () -> ()
    %dma_start3A = arith.constant 0 : i32
    %dma_start3A_3 = arith.constant 0 : i32
    %dma_start3A_4 = tpu.memref_slice %arg2[%dma_start3A, %dma_start3A_3] : memref<18000x896xf32, #tpu.memory_space<hbm>> -> memref<18000x896xf32, #tpu.memory_space<hbm>>
    tpu.enqueue_indirect_dma source(%dma_start3A_4 : memref<18000x896xf32, #tpu.memory_space<hbm>>) target(%arg6 : memref<128x896xf32, #tpu.memory_space<vmem>>) offsets(%arg5 : memref<128xi32, #tpu.memory_space<vmem>>) semaphore(%arg7 : memref<!tpu.dma_semaphore, #tpu.memory_space<semaphore_mem>>)
    %dma_wait3A = arith.constant 0 : i32
    %dma_wait3A_5 = arith.constant 0 : i32
    %dma_wait3A_6 = tpu.memref_slice %arg2[%dma_wait3A, %dma_wait3A_5] : memref<18000x896xf32, #tpu.memory_space<hbm>> -> memref<18000x896xf32, #tpu.memory_space<hbm>>
    tpu.wait_indirect_dma semaphore(%arg7 : memref<!tpu.dma_semaphore, #tpu.memory_space<semaphore_mem>>) src(%dma_wait3A_6 : memref<18000x896xf32, #tpu.memory_space<hbm>>) dst(%arg6 : memref<128x896xf32, #tpu.memory_space<vmem>>)
    "tpu.region"() ({
      %run_scoped3A = tpu.sem_alloc : memref<!tpu.dma_semaphore, #tpu.memory_space<semaphore_mem>>
      %dma_start3A_7 = arith.constant 0 : i32
      %dma_start3A_8 = tpu.memref_slice %arg4[%mul3A_2, %dma_start3A_7] : memref<4096x896xf32, #tpu.memory_space<hbm>> -> memref<128x896xf32, #tpu.memory_space<hbm>>
      %dma_start3A_9 = arith.constant 0 : i32
      %dma_start3A_10 = tpu.memref_slice %arg4[%mul3A_2, %dma_start3A_9] : memref<4096x896xf32, #tpu.memory_space<hbm>> -> memref<128x896xf32, #tpu.memory_space<hbm>>
      tpu.enqueue_dma source(%arg6 : memref<128x896xf32, #tpu.memory_space<vmem>>) target(%dma_start3A_10 : memref<128x896xf32, #tpu.memory_space<hbm>>) target_semaphore(%run_scoped3A : memref<!tpu.dma_semaphore, #tpu.memory_space<semaphore_mem>>)
      %dma_wait3A_11 = arith.constant 0 : i32
      %dma_wait3A_12 = tpu.memref_slice %arg4[%mul3A_2, %dma_wait3A_11] : memref<4096x896xf32, #tpu.memory_space<hbm>> -> memref<128x896xf32, #tpu.memory_space<hbm>>
      %dma_wait3A_13 = arith.constant 0 : i32
      %dma_wait3A_14 = tpu.memref_slice %arg4[%mul3A_2, %dma_wait3A_13] : memref<4096x896xf32, #tpu.memory_space<hbm>> -> memref<128x896xf32, #tpu.memory_space<hbm>>
      tpu.wait_dma2 semaphore(%run_scoped3A : memref<!tpu.dma_semaphore, #tpu.memory_space<semaphore_mem>>) src(%arg6 : memref<128x896xf32, #tpu.memory_space<vmem>>) dst(%dma_wait3A_14 : memref<128x896xf32, #tpu.memory_space<hbm>>)
      tpu.yield
    }) : () -> ()
    return
  }
}

module attributes {stable_mosaic.version = 14 : i64} {
  func.func @_argmin_body(%arg0: i32, %arg1: memref<4096x776xf32, #tpu.memory_space<vmem>>, %arg2: memref<4096x1xf32, #tpu.memory_space<vmem>>, %arg3: memref<368x776xf32, #tpu.memory_space<vmem>>, %arg4: memref<49x368xf32, #tpu.memory_space<vmem>>, %arg5: memref<368x896xf32, #tpu.memory_space<vmem>>, %arg6: memref<4096x1xi32, #tpu.memory_space<vmem>>, %arg7: memref<1x1xf32, #tpu.memory_space<vmem>>, %arg8: memref<4096x1xf32, #tpu.memory_space<vmem>>, %arg9: memref<4096x1xi32, #tpu.memory_space<vmem>>, %arg10: memref<4096x1xf32, #tpu.memory_space<vmem>>, %arg11: memref<4096x1xf32, #tpu.memory_space<vmem>>) attributes {dimension_semantics = [#tpu.dimension_semantics<arbitrary>], iteration_bounds = array<i64: 49>, scalar_prefetch = 0 : i64, scratch_operands = 4 : i64, tpu.core_type = #tpu.core_type<tc>, window_params = [{pipeline_mode = #tpu.pipeline_mode<synchronous>, transform_indices = @transform_0, window_bounds = array<i64: 4096, 776>}, {pipeline_mode = #tpu.pipeline_mode<synchronous>, transform_indices = @transform_1, window_bounds = array<i64: 4096, 1>}, {transform_indices = @transform_2, window_bounds = array<i64: 368, 776>}, {pipeline_mode = #tpu.pipeline_mode<synchronous>, transform_indices = @transform_3, window_bounds = array<i64: 49, 368>}, {transform_indices = @transform_4, window_bounds = array<i64: 368, 896>}, {pipeline_mode = #tpu.pipeline_mode<synchronous>, transform_indices = @transform_5, window_bounds = array<i64: 4096, 1>}, {pipeline_mode = #tpu.pipeline_mode<synchronous>, transform_indices = @transform_6, window_bounds = array<i64: 1, 1>}]} {
    %rem3A = arith.constant 7 : i32
    %rem3A_0 = arith.remsi %arg0, %rem3A : i32
    %div3A = arith.constant 7 : i32
    %div3A_1 = arith.divsi %arg0, %div3A : i32
    %get3A = arith.constant 0 : index
    %get3A_2 = arith.constant 0 : index
    %get3A_3 = vector.load %arg3[%get3A, %get3A_2] : memref<368x776xf32, #tpu.memory_space<vmem>>, vector<368x776xf32>
    %broadcast_in_dim3A = arith.constant 0.000000e+00 : f32
    %broadcast_in_dim3A_4 = vector.broadcast %broadcast_in_dim3A : f32 to vector<368x120xf32>
    %concatenate3A = tpu.concatenate %get3A_3, %broadcast_in_dim3A_4 in 1 : vector<368x776xf32>, vector<368x120xf32> -> vector<368x896xf32>
    %swap3A = arith.constant 0 : index
    %swap3A_5 = arith.constant 0 : index
    %swap3A_6 = vector.load %arg5[%swap3A, %swap3A_5] : memref<368x896xf32, #tpu.memory_space<vmem>>, vector<368x896xf32>
    tpu.vector_store %arg5[%swap3A, %swap3A_5], %concatenate3A {strides = array<i32>} : memref<368x896xf32, #tpu.memory_space<vmem>>, vector<368x896xf32>,
    %get3A_7 = arith.constant 0 : index
    %get3A_8 = arith.constant 0 : index
    %get3A_9 = vector.load %arg1[%get3A_7, %get3A_8] : memref<4096x776xf32, #tpu.memory_space<vmem>>, vector<4096x776xf32>
    %dot_general3A = arith.constant dense<0.000000e+00> : vector<4096x368xf32>
    %dot_general3A_10 = tpu.matmul %get3A_9, %get3A_3, %dot_general3A {dimension_numbers = #tpu.dot_dimension_numbers<[1], [1], [0], [0], [0, 0, 1, 0], [], []>, transpose_lhs_hint = false} : vector<4096x776xf32>, vector<368x776xf32>, vector<4096x368xf32> -> vector<4096x368xf32>
    %iota3A = tpu.iota {dimensions = array<i32: 1>} : vector<4096x368xi32>
    %mul3A = arith.constant 368 : i32
    %mul3A_11 = arith.muli %arg0, %mul3A : i32
    %add3A = vector.broadcast %mul3A_11 : i32 to vector<4096x368xi32>
    %add3A_12 = arith.addi %iota3A, %add3A : vector<4096x368xi32>
    %get3A_13 = arith.index_cast %arg0 : i32 to index
    %get3A_14 = arith.constant 0 : index
    %get3A_15 = vector.load %arg4[%get3A_13, %get3A_14] : memref<49x368xf32, #tpu.memory_space<vmem>>, vector<1x368xf32>
    %get3A_16 = arith.constant 0 : index
    %get3A_17 = arith.constant 0 : index
    %get3A_18 = vector.load %arg2[%get3A_16, %get3A_17] : memref<4096x1xf32, #tpu.memory_space<vmem>>, vector<4096x1xf32>
    %add3A_19 = vector.broadcast %get3A_18 : vector<4096x1xf32> to vector<4096x368xf32>
    %add3A_20 = vector.broadcast %get3A_15 : vector<1x368xf32> to vector<4096x368xf32>
    %add3A_21 = arith.addf %add3A_19, %add3A_20 : vector<4096x368xf32>
    %mul3A_22 = arith.constant 2.000000e+00 : f32
    %mul3A_23 = vector.broadcast %mul3A_22 : f32 to vector<4096x368xf32>
    %mul3A_24 = arith.mulf %mul3A_23, %dot_general3A_10 : vector<4096x368xf32>
    %sub3A = arith.subf %add3A_21, %mul3A_24 : vector<4096x368xf32>
    %lt3A = arith.constant 18000 : i32
    %lt3A_25 = vector.broadcast %lt3A : i32 to vector<4096x368xi32>
    %lt3A_26 = arith.cmpi slt, %add3A_12, %lt3A_25 : vector<4096x368xi32>
    %jit3A = arith.constant 0x7F800000 : f32
    %broadcast_in_dim3A_27 = vector.broadcast %jit3A : f32 to vector<4096x368xf32>
    %select_n3A = arith.select %lt3A_26, %sub3A, %broadcast_in_dim3A_27 : vector<4096x368xi1>, vector<4096x368xf32>
    %reduce_min3A = arith.constant dense<0x7F800000> : vector<4096xf32>
    %reduce_min3A_28 = vector.multi_reduction <minimumf>, %select_n3A, %reduce_min3A [1] : vector<4096x368xf32> to vector<4096xf32>
    %broadcast_in_dim3A_29 = vector.shape_cast %reduce_min3A_28 : vector<4096xf32> to vector<4096x1xf32>
    %eq3A = vector.broadcast %broadcast_in_dim3A_29 : vector<4096x1xf32> to vector<4096x368xf32>
    %eq3A_30 = arith.cmpf oeq, %select_n3A, %eq3A : vector<4096x368xf32>
    %jit3A_31 = arith.constant 2147483647 : i32
    %broadcast_in_dim3A_32 = vector.broadcast %jit3A_31 : i32 to vector<4096x368xi32>
    %select_n3A_33 = arith.select %eq3A_30, %add3A_12, %broadcast_in_dim3A_32 : vector<4096x368xi1>, vector<4096x368xi32>
    %reduce_min3A_34 = arith.constant dense<2147483647> : vector<4096xi32>
    %reduce_min3A_35 = vector.multi_reduction <minsi>, %select_n3A_33, %reduce_min3A_34 [1] : vector<4096x368xi32> to vector<4096xi32>
    %broadcast_in_dim3A_36 = vector.shape_cast %reduce_min3A_35 : vector<4096xi32> to vector<4096x1xi32>
    %eq3A_37 = arith.constant 0 : i32
    %eq3A_38 = arith.cmpi eq, %rem3A_0, %eq3A_37 : i32
    %convert_element_type3A = arith.extui %eq3A_38 : i1 to i32
    %cond3A = arith.constant 0 : i32
    %cond3A_39 = arith.cmpi ne, %convert_element_type3A, %cond3A : i32
    scf.if %cond3A_39 {
      %swap3A_54 = arith.constant 0 : index
      %swap3A_55 = arith.constant 0 : index
      %swap3A_56 = vector.load %arg8[%swap3A_54, %swap3A_55] : memref<4096x1xf32, #tpu.memory_space<vmem>>, vector<4096x1xf32>
      tpu.vector_store %arg8[%swap3A_54, %swap3A_55], %broadcast_in_dim3A_29 {strides = array<i32>} : memref<4096x1xf32, #tpu.memory_space<vmem>>, vector<4096x1xf32>,
      %swap3A_57 = arith.constant 0 : index
      %swap3A_58 = arith.constant 0 : index
      %swap3A_59 = vector.load %arg9[%swap3A_57, %swap3A_58] : memref<4096x1xi32, #tpu.memory_space<vmem>>, vector<4096x1xi32>
      tpu.vector_store %arg9[%swap3A_57, %swap3A_58], %broadcast_in_dim3A_36 {strides = array<i32>} : memref<4096x1xi32, #tpu.memory_space<vmem>>, vector<4096x1xi32>,
    } else {
    }
    %gt3A = arith.constant 0 : i32
    %gt3A_40 = arith.cmpi sgt, %rem3A_0, %gt3A : i32
    %convert_element_type3A_41 = arith.extui %gt3A_40 : i1 to i32
    %cond3A_42 = arith.constant 0 : i32
    %cond3A_43 = arith.cmpi ne, %convert_element_type3A_41, %cond3A_42 : i32
    scf.if %cond3A_43 {
      %get3A_54 = arith.constant 0 : index
      %get3A_55 = arith.constant 0 : index
      %get3A_56 = vector.load %arg8[%get3A_54, %get3A_55] : memref<4096x1xf32, #tpu.memory_space<vmem>>, vector<4096x1xf32>
      %lt3A_57 = arith.cmpf olt, %broadcast_in_dim3A_29, %get3A_56 : vector<4096x1xf32>
      %get3A_58 = arith.constant 0 : index
      %get3A_59 = arith.constant 0 : index
      %get3A_60 = vector.load %arg9[%get3A_58, %get3A_59] : memref<4096x1xi32, #tpu.memory_space<vmem>>, vector<4096x1xi32>
      %select_n3A_61 = arith.select %lt3A_57, %broadcast_in_dim3A_36, %get3A_60 : vector<4096x1xi1>, vector<4096x1xi32>
      %swap3A_62 = arith.constant 0 : index
      %swap3A_63 = arith.constant 0 : index
      %swap3A_64 = vector.load %arg9[%swap3A_62, %swap3A_63] : memref<4096x1xi32, #tpu.memory_space<vmem>>, vector<4096x1xi32>
      tpu.vector_store %arg9[%swap3A_62, %swap3A_63], %select_n3A_61 {strides = array<i32>} : memref<4096x1xi32, #tpu.memory_space<vmem>>, vector<4096x1xi32>,
      %get3A_65 = arith.constant 0 : index
      %get3A_66 = arith.constant 0 : index
      %get3A_67 = vector.load %arg8[%get3A_65, %get3A_66] : memref<4096x1xf32, #tpu.memory_space<vmem>>, vector<4096x1xf32>
      %select_n3A_68 = arith.select %lt3A_57, %broadcast_in_dim3A_29, %get3A_67 : vector<4096x1xi1>, vector<4096x1xf32>
      %swap3A_69 = arith.constant 0 : index
      %swap3A_70 = arith.constant 0 : index
      %swap3A_71 = vector.load %arg8[%swap3A_69, %swap3A_70] : memref<4096x1xf32, #tpu.memory_space<vmem>>, vector<4096x1xf32>
      tpu.vector_store %arg8[%swap3A_69, %swap3A_70], %select_n3A_68 {strides = array<i32>} : memref<4096x1xf32, #tpu.memory_space<vmem>>, vector<4096x1xf32>,
    } else {
    }
    %eq3A_44 = arith.constant 6 : i32
    %eq3A_45 = arith.cmpi eq, %rem3A_0, %eq3A_44 : i32
    %convert_element_type3A_46 = arith.extui %eq3A_45 : i1 to i32
    %cond3A_47 = arith.constant 0 : i32
    %cond3A_48 = arith.cmpi ne, %convert_element_type3A_46, %cond3A_47 : i32
    scf.if %cond3A_48 {
      %eq3A_54 = arith.constant 0 : i32
      %eq3A_55 = arith.cmpi eq, %div3A_1, %eq3A_54 : i32
      %convert_element_type3A_56 = arith.extui %eq3A_55 : i1 to i32
      %cond3A_57 = arith.constant 0 : i32
      %cond3A_58 = arith.cmpi ne, %convert_element_type3A_56, %cond3A_57 : i32
      scf.if %cond3A_58 {
        %get3A_64 = arith.constant 0 : index
        %get3A_65 = arith.constant 0 : index
        %get3A_66 = vector.load %arg8[%get3A_64, %get3A_65] : memref<4096x1xf32, #tpu.memory_space<vmem>>, vector<4096x1xf32>
        %convert_element_type3A_67 = arith.truncf %get3A_66 : vector<4096x1xf32> to vector<4096x1xbf16>
        %convert_element_type3A_68 = arith.extf %convert_element_type3A_67 : vector<4096x1xbf16> to vector<4096x1xf32>
        %swap3A_69 = arith.constant 0 : index
        %swap3A_70 = arith.constant 0 : index
        %swap3A_71 = vector.load %arg10[%swap3A_69, %swap3A_70] : memref<4096x1xf32, #tpu.memory_space<vmem>>, vector<4096x1xf32>
        tpu.vector_store %arg10[%swap3A_69, %swap3A_70], %convert_element_type3A_68 {strides = array<i32>} : memref<4096x1xf32, #tpu.memory_space<vmem>>, vector<4096x1xf32>,
        %get3A_72 = arith.constant 0 : index
        %get3A_73 = arith.constant 0 : index
        %get3A_74 = vector.load %arg8[%get3A_72, %get3A_73] : memref<4096x1xf32, #tpu.memory_space<vmem>>, vector<4096x1xf32>
        %swap3A_75 = arith.constant 0 : index
        %swap3A_76 = arith.constant 0 : index
        %swap3A_77 = vector.load %arg11[%swap3A_75, %swap3A_76] : memref<4096x1xf32, #tpu.memory_space<vmem>>, vector<4096x1xf32>
        tpu.vector_store %arg11[%swap3A_75, %swap3A_76], %get3A_74 {strides = array<i32>} : memref<4096x1xf32, #tpu.memory_space<vmem>>, vector<4096x1xf32>,
        %get3A_78 = arith.constant 0 : index
        %get3A_79 = arith.constant 0 : index
        %get3A_80 = vector.load %arg9[%get3A_78, %get3A_79] : memref<4096x1xi32, #tpu.memory_space<vmem>>, vector<4096x1xi32>
        %swap3A_81 = arith.constant 0 : index
        %swap3A_82 = arith.constant 0 : index
        %swap3A_83 = vector.load %arg6[%swap3A_81, %swap3A_82] : memref<4096x1xi32, #tpu.memory_space<vmem>>, vector<4096x1xi32>
        tpu.vector_store %arg6[%swap3A_81, %swap3A_82], %get3A_80 {strides = array<i32>} : memref<4096x1xi32, #tpu.memory_space<vmem>>, vector<4096x1xi32>,
      } else {
      }
      %gt3A_59 = arith.constant 0 : i32
      %gt3A_60 = arith.cmpi sgt, %div3A_1, %gt3A_59 : i32
      %convert_element_type3A_61 = arith.extui %gt3A_60 : i1 to i32
      %cond3A_62 = arith.constant 0 : i32
      %cond3A_63 = arith.cmpi ne, %convert_element_type3A_61, %cond3A_62 : i32
      scf.if %cond3A_63 {
        %get3A_64 = arith.constant 0 : index
        %get3A_65 = arith.constant 0 : index
        %get3A_66 = vector.load %arg8[%get3A_64, %get3A_65] : memref<4096x1xf32, #tpu.memory_space<vmem>>, vector<4096x1xf32>
        %get3A_67 = arith.constant 0 : index
        %get3A_68 = arith.constant 0 : index
        %get3A_69 = vector.load %arg10[%get3A_67, %get3A_68] : memref<4096x1xf32, #tpu.memory_space<vmem>>, vector<4096x1xf32>
        %lt3A_70 = arith.cmpf olt, %get3A_66, %get3A_69 : vector<4096x1xf32>
        %get3A_71 = arith.constant 0 : index
        %get3A_72 = arith.constant 0 : index
        %get3A_73 = vector.load %arg9[%get3A_71, %get3A_72] : memref<4096x1xi32, #tpu.memory_space<vmem>>, vector<4096x1xi32>
        %get3A_74 = arith.constant 0 : index
        %get3A_75 = arith.constant 0 : index
        %get3A_76 = vector.load %arg6[%get3A_74, %get3A_75] : memref<4096x1xi32, #tpu.memory_space<vmem>>, vector<4096x1xi32>
        %select_n3A_77 = arith.select %lt3A_70, %get3A_73, %get3A_76 : vector<4096x1xi1>, vector<4096x1xi32>
        %swap3A_78 = arith.constant 0 : index
        %swap3A_79 = arith.constant 0 : index
        %swap3A_80 = vector.load %arg6[%swap3A_78, %swap3A_79] : memref<4096x1xi32, #tpu.memory_space<vmem>>, vector<4096x1xi32>
        tpu.vector_store %arg6[%swap3A_78, %swap3A_79], %select_n3A_77 {strides = array<i32>} : memref<4096x1xi32, #tpu.memory_space<vmem>>, vector<4096x1xi32>,
        %get3A_81 = arith.constant 0 : index
        %get3A_82 = arith.constant 0 : index
        %get3A_83 = vector.load %arg8[%get3A_81, %get3A_82] : memref<4096x1xf32, #tpu.memory_space<vmem>>, vector<4096x1xf32>
        %get3A_84 = arith.constant 0 : index
        %get3A_85 = arith.constant 0 : index
        %get3A_86 = vector.load %arg11[%get3A_84, %get3A_85] : memref<4096x1xf32, #tpu.memory_space<vmem>>, vector<4096x1xf32>
        %select_n3A_87 = arith.select %lt3A_70, %get3A_83, %get3A_86 : vector<4096x1xi1>, vector<4096x1xf32>
        %swap3A_88 = arith.constant 0 : index
        %swap3A_89 = arith.constant 0 : index
        %swap3A_90 = vector.load %arg11[%swap3A_88, %swap3A_89] : memref<4096x1xf32, #tpu.memory_space<vmem>>, vector<4096x1xf32>
        tpu.vector_store %arg11[%swap3A_88, %swap3A_89], %select_n3A_87 {strides = array<i32>} : memref<4096x1xf32, #tpu.memory_space<vmem>>, vector<4096x1xf32>,
        %get3A_91 = arith.constant 0 : index
        %get3A_92 = arith.constant 0 : index
        %get3A_93 = vector.load %arg8[%get3A_91, %get3A_92] : memref<4096x1xf32, #tpu.memory_space<vmem>>, vector<4096x1xf32>
        %get3A_94 = arith.constant 0 : index
        %get3A_95 = arith.constant 0 : index
        %get3A_96 = vector.load %arg10[%get3A_94, %get3A_95] : memref<4096x1xf32, #tpu.memory_space<vmem>>, vector<4096x1xf32>
        %select_n3A_97 = arith.select %lt3A_70, %get3A_93, %get3A_96 : vector<4096x1xi1>, vector<4096x1xf32>
        %convert_element_type3A_98 = arith.truncf %select_n3A_97 : vector<4096x1xf32> to vector<4096x1xbf16>
        %convert_element_type3A_99 = arith.extf %convert_element_type3A_98 : vector<4096x1xbf16> to vector<4096x1xf32>
        %swap3A_100 = arith.constant 0 : index
        %swap3A_101 = arith.constant 0 : index
        %swap3A_102 = vector.load %arg10[%swap3A_100, %swap3A_101] : memref<4096x1xf32, #tpu.memory_space<vmem>>, vector<4096x1xf32>
        tpu.vector_store %arg10[%swap3A_100, %swap3A_101], %convert_element_type3A_99 {strides = array<i32>} : memref<4096x1xf32, #tpu.memory_space<vmem>>, vector<4096x1xf32>,
      } else {
      }
    } else {
    }
    %eq3A_49 = arith.constant 48 : i32
    %eq3A_50 = arith.cmpi eq, %arg0, %eq3A_49 : i32
    %convert_element_type3A_51 = arith.extui %eq3A_50 : i1 to i32
    %cond3A_52 = arith.constant 0 : i32
    %cond3A_53 = arith.cmpi ne, %convert_element_type3A_51, %cond3A_52 : i32
    scf.if %cond3A_53 {
      %get3A_54 = arith.constant 0 : index
      %get3A_55 = arith.constant 0 : index
      %get3A_56 = vector.load %arg11[%get3A_54, %get3A_55] : memref<4096x1xf32, #tpu.memory_space<vmem>>, vector<4096x1xf32>
      %reduce_sum3A = vector.shape_cast %get3A_56 : vector<4096x1xf32> to vector<1x4096x1xf32>
      %reduce_sum3A_57 = arith.constant dense<0.000000e+00> : vector<1xf32>
      %reduce_sum3A_58 = vector.multi_reduction <add>, %reduce_sum3A, %reduce_sum3A_57 [1, 2] : vector<1x4096x1xf32> to vector<1xf32>
      %reduce_sum3A_59 = vector.shape_cast %reduce_sum3A_58 : vector<1xf32> to vector<1x1x1xf32>
      %reduce_sum3A_60 = vector.extract %reduce_sum3A_59[0, 0, 0] : f32 from vector<1x1x1xf32>
      %broadcast_in_dim3A_61 = vector.broadcast %reduce_sum3A_60 : f32 to vector<1x1xf32>
      %mul3A_62 = arith.constant 2.000000e+00 : f32
      %mul3A_63 = vector.broadcast %mul3A_62 : f32 to vector<1x1xf32>
      %mul3A_64 = arith.mulf %mul3A_63, %broadcast_in_dim3A_61 : vector<1x1xf32>
      %div3A_65 = arith.constant 0x4A420000 : f32
      %div3A_66 = vector.broadcast %div3A_65 : f32 to vector<1x1xf32>
      %div3A_67 = arith.divf %mul3A_64, %div3A_66 : vector<1x1xf32>
      %swap3A_68 = arith.constant 0 : index
      %swap3A_69 = arith.constant 0 : index
      %swap3A_70 = vector.load %arg7[%swap3A_68, %swap3A_69] : memref<1x1xf32, #tpu.memory_space<vmem>>, vector<1x1xf32>
      tpu.vector_store %arg7[%swap3A_68, %swap3A_69], %div3A_67 {strides = array<i32>} : memref<1x1xf32, #tpu.memory_space<vmem>>, vector<1x1xf32>,
    } else {
    }
    return
  }
  func.func @transform_0(%arg0: i32) -> (i32, i32) {
    %c0_i32 = arith.constant 0 : i32
    %c0_i32_0 = arith.constant 0 : i32
    %c0_i32_1 = arith.constant 0 : i32
    return %c0_i32, %c0_i32_0 : i32, i32
  }
  func.func @transform_1(%arg0: i32) -> (i32, i32) {
    %c0_i32 = arith.constant 0 : i32
    %c0_i32_0 = arith.constant 0 : i32
    %c0_i32_1 = arith.constant 0 : i32
    return %c0_i32, %c0_i32_0 : i32, i32
  }
  func.func @transform_2(%arg0: i32) -> (i32, i32) {
    %c0_i32 = arith.constant 0 : i32
    %c0_i32_0 = arith.constant 0 : i32
    return %arg0, %c0_i32 : i32, i32
  }
  func.func @transform_3(%arg0: i32) -> (i32, i32) {
    %c0_i32 = arith.constant 0 : i32
    %c0_i32_0 = arith.constant 0 : i32
    %c0_i32_1 = arith.constant 0 : i32
    return %c0_i32, %c0_i32_0 : i32, i32
  }
  func.func @transform_4(%arg0: i32) -> (i32, i32) {
    %c0_i32 = arith.constant 0 : i32
    %c0_i32_0 = arith.constant 0 : i32
    return %arg0, %c0_i32 : i32, i32
  }
  func.func @transform_5(%arg0: i32) -> (i32, i32) {
    %c0_i32 = arith.constant 0 : i32
    %c0_i32_0 = arith.constant 0 : i32
    %c0_i32_1 = arith.constant 0 : i32
    return %c0_i32, %c0_i32_0 : i32, i32
  }
  func.func @transform_6(%arg0: i32) -> (i32, i32) {
    %c0_i32 = arith.constant 0 : i32
    %c0_i32_0 = arith.constant 0 : i32
    %c0_i32_1 = arith.constant 0 : i32
    return %c0_i32, %c0_i32_0 : i32, i32
  }
}

</mosaic_0001>

<sc_bundles>
// kernel: kernel.4.cloned.1.call-start
scs
__scs_entry_jumppad:
0x0: {  	(pc) =	sbr.rel $0x88, $3  }
0x1: {  	(tag) =	ssettag $0x0;
	lr =	simm.s32 $0x1  }
0x2: {  	[smem:$0x3F9E] =	sst lr;
	_ =	strace $0xD0000000  }
0x3: {  	_ = 	snop  }
0x4: {  	_ = 	snop  }
0x5: {  	_ = 	snop  }
0x6: {  	_ = 	snop  }
0x7: {  	_ = 	snop  }
__scs_overlays_trampoline_lowered:
0x8: {  	[smem:$0x3FAD] =	sst s0  }
0x9: {  	[smem:$0x3FAE] =	sst s1  }
0xa: {  	[smem:$0x3FAF] =	sst s2  }
0xb: {  	[smem:$0x3FB0] =	sst s3  }
0xc: {  	[smem:$0x3FB1] =	sst s4  }
0xd: {  	[smem:$0x3FB2] =	sst s5  }
0xe: {  	[smem:$0x3FB3] =	sst s6  }
0xf: {  	[smem:$0x3FB4] =	sst s7  }
0x10: {  	[smem:$0x3FB5] =	sst s8  }
0x11: {  	[smem:$0x3FB6] =	sst s9;
	s0 =	simm.s32 @!p0 $0x0  }
0x12: {  	s1 =	sld [smem:$0x3F9C];
	s0 =	simm.s32 @p0 $0x1  }
0x13: {  	[smem:$0x3FB7] =	sst s0;
	s0 =	simm.s32 @!p1 $0x0  }
0x14: {  	s2 =	sld [smem:$0x3F9B];
	s0 =	simm.s32 @p1 $0x1  }
0x15: {  	[smem:$0x3FB8] =	sst s0;
	s0 =	simm.s32 @!p2 $0x0  }
0x16: {  	s3 =	sld [smem:$0x3FDB];
	s0 =	simm.s32 @p2 $0x1  }
0x17: {  	s4 =	simm.s32 $0x1BF5;
	[smem:$0x3FBA] =	sst s0  }
0x18: {  	s0 =	sld [smem:$0x3F9D];
	_ =	swait.ge [sflag:s4], $0x0  }
0x19: {  	s7 =	sld [smem:$0x3F9E]  }
0x1a: {  	s8 =	sadd.s32 $0xFFFFE003, lr  }
0x1b: {  	s9 =	sadd.s32 $0xFFFFFEF7, lr;
	s5 =	simm.s32 $0xFFFFFFFF;
	p2 =	slt.u32 s8, $0xFFFFF086  }
0x1c: {  	p1 =	slt.u32 s9, $0xF7A;
	s5 =	simm.s32 @!p2 $0x0  }
0x1d: {  	s5 =	simm.s32 @p1 $0x1;
	p0 =	seq.s32 s7, s2  }
0x1e: {  	s7 =	smul.u32 @!p0 $0xF7A, s2;
	p2 =	seq.s32 @!p0 s5, $0x0  }
0x1f: {  	s9 =	smul.u32 $0xF7A, s1;
	s8 =	simm.s32 @!p0 $0x1BF5;
	p2 =	por !p2, p0  }
0x20: {  	[sflag:s8] =	ssyncset.s32 @!p0 $0xFFFFF086;
	s6 =	sadd.s32 @!p0 s3, s7;
	s7 =	simm.s32 @!p0 $0x108  }
0x21: {  	s3 =	sadd.s32 s3, s9;
	s6 =	sadd.s32 @!p0 $0x88, s6;
	s7 =	simm.s32 @p2 $0x1082  }
0x22: {  	[simem:s7], [sflag:s8] =	dma.local @!p0 [hbm:s6], $0xF7A  }
0x23: {  	s9 =	sor.u32 $0xD0000000, s2;
	s6 =	simm.s32 $0x108;
	_ =	swait.ge @!p0 [sflag:s8], $0x0  }
0x24: {  	s3 =	sadd.s32 $0x88, s3;
	s6 =	simm.s32 @!p1 $0x1082;
	[sflag:s4] =	ssyncset.s32 $0xFFFFF086  }
0x25: {  	[simem:s6], [sflag:s4] =	dma.local [hbm:s3], $0xF7A  }
0x26: {  	[smem:$0x3F9E] =	sst s1;
	(tag) =	ssettag s2;
	_ =	strace s9  }
0x27: {  	s1 =	sld [smem:$0x3FAE]  }
0x28: {  	s2 =	sld [smem:$0x3FAF]  }
0x29: {  	s4 =	sld [smem:$0x3FB1]  }
0x2a: {  	p0 =	seq.s32 s5, $0x0;
	s5 =	sld [smem:$0x3FB2]  }
0x2b: {  	s6 =	sld [smem:$0x3FB3]  }
0x2c: {  	s7 =	sld [smem:$0x3FB4]  }
0x2d: {  	s3 =	simm.s32 $0x108;
	s8 =	sld [smem:$0x3FB5]  }
0x2e: {  	s3 =	simm.s32 @!p0 $0x1082;
	s9 =	sld [smem:$0x3FB6]  }
0x2f: {  	lr =	sadd.s32 s0, s3;
	s0 =	sld [smem:$0x3FAD]  }
0x30: {  	s3 =	sld [smem:$0x3FB0]  }
0x31: {  	[smem:$0x3FB9] =	sst s10  }
0x32: {  	s10 =	sld [smem:$0x3FB7];
	_ =	sdelay $0x3  }
0x33: {  	p0 =	seq.s32 s10, $0x1;
	s10 =	sld [smem:$0x3FB9];
	_ =	sdelay $0x3  }
0x34: {  	[smem:$0x3FB9] =	sst s10  }
0x35: {  	s10 =	sld [smem:$0x3FB8];
	_ =	sdelay $0x3  }
0x36: {  	p1 =	seq.s32 s10, $0x1;
	s10 =	sld [smem:$0x3FB9];
	_ =	sdelay $0x3  }
0x37: {  	[smem:$0x3FB9] =	sst s10  }
0x38: {  	s10 =	sld [smem:$0x3FBA]  }
0x39: {  	_ = 	snop;
	(pc) =	sbr.ind lr, $3  }
0x3a: {  	_ = 	snop  }
0x3b: {  	_ = 	snop  }
0x3c: {  	p2 =	seq.s32 s10, $0x1;
	s10 =	sld [smem:$0x3FB9]  }
0x3d: {  	_ =	shalt  }
0x3e: {  	_ =	shalt  }
0x3f: {  	_ =	shalt  }
0x40: {  	_ =	shalt  }
0x41: {  	_ =	shalt  }
0x42: {  	_ =	shalt  }
0x43: {  	_ =	shalt  }
0x44: {  	_ =	shalt  }
0x45: {  	_ =	shalt  }
0x46: {  	_ =	shalt  }
0x47: {  	_ =	shalt  }
0x48: {  	_ =	shalt  }
0x49: {  	_ =	shalt  }
0x4a: {  	_ =	shalt  }
0x4b: {  	_ =	shalt  }
0x4c: {  	_ =	shalt  }
0x4d: {  	_ =	shalt  }
0x4e: {  	_ =	shalt  }
0x4f: {  	_ =	shalt  }
0x50: {  	_ =	shalt  }
0x51: {  	_ =	shalt  }
0x52: {  	_ =	shalt  }
0x53: {  	_ =	shalt  }
0x54: {  	_ =	shalt  }
0x55: {  	_ =	shalt  }
0x56: {  	_ =	shalt  }
0x57: {  	_ =	shalt  }
0x58: {  	_ =	shalt  }
0x59: {  	_ =	shalt  }
0x5a: {  	_ =	shalt  }
0x5b: {  	_ =	shalt  }
0x5c: {  	_ =	shalt  }
0x5d: {  	_ =	shalt  }
0x5e: {  	_ =	shalt  }
0x5f: {  	_ =	shalt  }
0x60: {  	_ =	shalt  }
0x61: {  	_ =	shalt  }
0x62: {  	_ =	shalt  }
0x63: {  	_ =	shalt  }
0x64: {  	_ =	shalt  }
0x65: {  	_ =	shalt  }
0x66: {  	_ =	shalt  }
0x67: {  	_ =	shalt  }
0x68: {  	_ =	shalt  }
0x69: {  	_ =	shalt  }
0x6a: {  	_ =	shalt  }
0x6b: {  	_ =	shalt  }
0x6c: {  	_ =	shalt  }
0x6d: {  	_ =	shalt  }
0x6e: {  	_ =	shalt  }
0x6f: {  	_ =	shalt  }
0x70: {  	_ =	shalt  }
0x71: {  	_ =	shalt  }
0x72: {  	_ =	shalt  }
0x73: {  	_ =	shalt  }
0x74: {  	_ =	shalt  }
0x75: {  	_ =	shalt  }
0x76: {  	_ =	shalt  }
0x77: {  	_ =	shalt  }
0x78: {  	_ =	shalt  }
0x79: {  	_ =	shalt  }
0x7a: {  	_ =	shalt  }
0x7b: {  	_ =	shalt  }
0x7c: {  	_ =	shalt  }
0x7d: {  	_ =	shalt  }
0x7e: {  	_ =	shalt  }
0x7f: {  	_ =	shalt  }
0x80: {  	_ =	shalt  }
0x81: {  	_ =	shalt  }
0x82: {  	_ =	shalt  }
0x83: {  	_ =	shalt  }
0x84: {  	_ =	shalt  }
0x85: {  	_ =	shalt  }
0x86: {  	_ =	shalt  }
0x87: {  	_ =	shalt  }
.Lfunc_end0:
.L_simem_size_0:
called_computation_lowered:
.L_overlay_start_0:
0x88: {  	s2 =	sld [smem:$0x3FD9]  }
0x89: {  	s3 =	sld [smem:$0x3FFE];
	_ =	sdelay $0x1  }
0x8a: {  	s1 =	srdreg.scid  }
0x8b: {  	s0 =	sand.u32 $0x1, s1  }
0x8c: {  	s14 =	sshll.u32 s0, $0xA;
	s2 =	sadd.s32 s3, s2  }
0x8d: {  	s2 =	sadd.s32 s2, s14  }
0x8e: {  	[smem:$0x3FC5] =	sst s2  }
0x8f: {  	_ = 	snop  }
0x90: {  	s2 =	sld [smem:$0x3FD0];
	_ =	sdelay $0x2  }
0x91: {  	s15 =	simm.s32 $0xA;
	s4 =	simm.s32 $0x10  }
0x92: {  	[smem:s4], [sflag:s15] =	dma.local [hbm:s2], $0x1  }
0x93: {  	_ =	swait.eq [sflag:s15], $0x1  }
0x94: {  	[sflag:s15] =	ssyncset.done $0x0  }
0x95: {  	[sflag:s15] =	ssyncadd.s32 $0xFFFFFFFF  }
0x96: {  	s16 =	sld [smem:$0x12];
	(tm) =	ssettm $0x1  }
0x97: {  	s17 =	sld [smem:$0x3FFB];
	_ =	sdelay $0x3  }
0x98: {  	_ =	strace s17  }
0x99: {  	s3 =	sld [smem:$0x3FFC];
	_ =	sdelay $0x3  }
0x9a: {  	_ =	strace s3  }
0x9b: {  	s3 =	sld [smem:$0x3FFD];
	_ =	sdelay $0x3  }
0x9c: {  	_ =	strace s3  }
0x9d: {  	_ =	strace $0x8FFFFFFF  }
0x9e: {  	s18 =	sld [smem:$0x3FDB];
	_ =	sdelay $0x1  }
0x9f: {  	s19 =	simm.s32 $_scs_section_size  }
0xa0: {  	s5 =	simm.s32 $_size__tile_overlayer_lowered;
	s6 =	simm.s32 $_tile_overlayer_lowered  }
0xa1: {  	s22 =	simm.s32 $0x1BFF;
	s21 =	sshll.u32 s6, $0x1;
	s3 =	sadd.s32 s19, s18  }
0xa2: {  	s7 =	simm.s32 $0x0;
	s20 =	sshll.u32 s5, $0x1;
	s5 =	sadd.s32 s21, s3  }
0xa3: {  	[timem:s7], [sflag:s22] =	dma.local [hbm:s5], s20  }
0xa4: {  	_ =	swait.ge [sflag:s22], s20  }
0xa5: {  	s4 =	ssub.s32 $0x0, s20;
	[sflag:s22] =	ssyncset.done $0x0  }
0xa6: {  	[sflag:s22] =	ssyncadd.s32 s4;
	_ =	sdelay $0x1  }
0xa7: {  	s23 =	simm.s32 $0x1B8B  }
0xa8: {  	_ =	swait.ge [sflag:s23], $0x1  }
0xa9: {  	[sflag:s23] =	ssyncset.done $0x0  }
0xaa: {  	s25 =	simm.s32 $0x1B8E;
	s24 =	sld [smem:$0x3FFE];
	[sflag:s23] =	ssyncadd.s32 $0xFFFFFFFF  }
0xab: {  	s26 =	simm.s32 $execute0_lowered;
	[smem:$0x3FD2] =	sst s25  }
0xac: {  	s5 =	sshll.u32 s26, $0x1;
	_ =	strace $0x80000046;
	[dreg:$0x1] =	wrdreg $0xFFFFFFFF  }
0xad: {  	s28 =	simm.s32 $_size_execute0_lowered;
	s3 =	sadd.s32 s3, s5;
	[dreg:$0x0] =	wrdreg $0x0  }
0xae: {  	s5 =	sshll.u32 s28, $0x1;
	[dreg:$0x2] =	wrdreg s3  }
0xaf: {  	[dreg:$0x3] =	wrdreg s5  }
0xb0: {  	[dreg:$0x4] =	wrdreg $0xC0  }
0xb1: {  	_ =	task [dreg:s7], $0x5FFFF  }
0xb2: {  	[dreg:$0x1] =	wrdreg $0xFFFFFFFF  }
0xb3: {  	[dreg:$0x0] =	wrdreg $0x60  }
0xb4: {  	[dreg:$0x2] =	wrdreg s24  }
0xb5: {  	[dreg:$0x3] =	wrdreg s16  }
0xb6: {  	[dreg:$0x4] =	wrdreg $0x9  }
0xb7: {  	_ =	task.clear_ibuf [dreg:s7], $0x5FFFF;
	_ =	strace $0x90000046  }
0xb8: {  	s29 =	simm.s32 $0x9;
	_ =	strace $0x80000048  }
0xb9: {  	_ =	swait.ge [sflag:s29], $0x1  }
0xba: {  	[sflag:s29] =	ssyncadd.s32 $0xFFFFFFFF  }
0xbb: {  	_ =	strace $0x90000048  }
0xbc: {  	_ =	sfence  }
0xbd: {  	s30 =	sld [smem:$0x0];
	_ =	sdelay $0x2  }
0xbe: {  	s31 =	sshll.u32 s1, $0xD;
	s1 =	sshrl.u32 s1, $0x2  }
0xbf: {  	s3 =	sand.u32 $0x4000, s31;
	s1 =	sadd.s32 s1, s30  }
0xc0: {  	s0 =	sor.u32 s3, s0;
	s1 =	sshll.u32 s1, $0x11  }
0xc1: {  	s0 =	sor.u32 s1, s0  }
0xc2: {  	s0 =	sadd.s32 $0x8F2B, s0  }
0xc3: {  	[sflag:s0] =	ssyncadd.remote.s32 $0x1  }
0xc4: {  	_ =	sfence.sel $0xFFFF  }
0xc5: {  	[dreg:$0x0] =	wrdreg $0xFFFFFFFF;
	(pc) =	sbr.abs _section_cstart, $3  }
0xc6: {  	[dreg:$0x1] =	wrdreg $0xFFFFFFFF  }
0xc7: {  	_ =	task.clear_ibuf [dreg:s7], $0x2FFFF;
	_ =	strace $0x9FFFFFFF  }
0xc8: {  	(tm) =	ssettm $0x7FFFFFFF  }
0xc9: {  	_ =	shalt  }
tec
execute0_lowered:
.L_overlay_start_1:
0x0: {  	(tag) =	ssettag $0x1  }
0x1: {  	s2 =	srdreg.scid;
	s1 =	rddreg [dreg:$0x0]  }
0x2: {  	s3 =	rddreg [dreg:$0x1];
	s4 =	sand.u32 $0x1, s2;
	s2 =	simm.s32 $0x0  }
0x3: {  	s8 =	simm.s32 $0x880;
	[smem:$0x7FF] =	sst s2  }
0x4: {  	s9 =	simm.s32 $0x1080;
	_ =	strace $0x80000047;
	[dreg:$0x5] =	wrdreg s8  }
0x5: {  	s10 =	simm.s32 $0x1880;
	[dreg:$0x6] =	wrdreg s9  }
0x6: {  	s11 =	simm.s32 $0x1C80;
	[dreg:$0x7] =	wrdreg s10  }
0x7: {  	s12 =	simm.s32 $0x2480;
	[dreg:$0x8] =	wrdreg s11  }
0x8: {  	s13 =	simm.s32 $0x2C80;
	[dreg:$0x9] =	wrdreg s12  }
0x9: {  	s14 =	simm.s32 $0x3480;
	[dreg:$0xa] =	wrdreg s13  }
0xa: {  	s15 =	simm.s32 $0x3880;
	[dreg:$0xb] =	wrdreg s14  }
0xb: {  	s16 =	simm.s32 $0x4080;
	[dreg:$0xc] =	wrdreg s15  }
0xc: {  	s17 =	simm.s32 $0x4880;
	[dreg:$0xd] =	wrdreg s16  }
0xd: {  	s18 =	simm.s32 $0x5080;
	[dreg:$0xe] =	wrdreg s17  }
0xe: {  	s19 =	simm.s32 $0x5480;
	[dreg:$0xf] =	wrdreg s18  }
0xf: {  	s20 =	simm.s32 $0x5C80;
	[dreg:$0x10] =	wrdreg s19  }
0x10: {  	s21 =	simm.s32 $0x6480;
	[dreg:$0x11] =	wrdreg s20  }
0x11: {  	s22 =	simm.s32 $0x6C80;
	[dreg:$0x12] =	wrdreg s21  }
0x12: {  	s23 =	simm.s32 $0x7080;
	[dreg:$0x13] =	wrdreg s22  }
0x13: {  	s24 =	simm.s32 $0x7880;
	[dreg:$0x14] =	wrdreg s23  }
0x14: {  	s25 =	simm.s32 $0x8080;
	[dreg:$0x15] =	wrdreg s24  }
0x15: {  	s0 =	stileid.u32;
	s26 =	simm.s32 $0x8880;
	[dreg:$0x16] =	wrdreg s25  }
0x16: {  	s5 =	sshll.u32 s0, $0x5;
	s0 =	simm.s32 $0x8C80;
	[dreg:$0x17] =	wrdreg s26  }
0x17: {  	[dreg:$0x18] =	wrdreg s0;
	s8 =	simm.s32 $0xA880  }
0x18: {  	s9 =	simm.s32 $0xB080;
	[dreg:$0x1c] =	wrdreg s8  }
0x19: {  	s10 =	simm.s32 $0xB880;
	[dreg:$0x1d] =	wrdreg s9  }
0x1a: {  	s11 =	simm.s32 $0xC080;
	[dreg:$0x1e] =	wrdreg s10  }
0x1b: {  	s12 =	simm.s32 $0xC480;
	[dreg:$0x1f] =	wrdreg s11  }
0x1c: {  	s13 =	simm.s32 $0xCC80;
	[smem:$0x7EF] =	sst s12  }
0x1d: {  	s14 =	simm.s32 $0xD480;
	[smem:$0x7F0] =	sst s13  }
0x1e: {  	s28 =	simm.s32 $0x1A480;
	s15 =	simm.s32 $0xDC80;
	[smem:$0x7F1] =	sst s14  }
0x1f: {  	s29 =	simm.s32 $0x1AC80;
	s16 =	simm.s32 $0xE080;
	[smem:$0x7F2] =	sst s15  }
0x20: {  	s30 =	simm.s32 $0x1B480;
	s17 =	simm.s32 $0xE880;
	[smem:$0x7F3] =	sst s16  }
0x21: {  	s31 =	simm.s32 $0x1BC80;
	s18 =	simm.s32 $0xF080;
	[smem:$0x7F4] =	sst s17  }
0x22: {  	s6 =	sshll.u32 s4, $0x4;
	s19 =	simm.s32 $0xF880;
	[smem:$0x7F5] =	sst s18  }
0x23: {  	s4 =	ssub.s32 $0x2, s4;
	s21 =	simm.s32 $0xFC80;
	[smem:$0x7F6] =	sst s19  }
0x24: {  	s5 =	sor.u32 s6, s5;
	s22 =	simm.s32 $0x10480;
	[smem:$0x7F7] =	sst s21  }
0x25: {  	s20 =	sshrl.u32 s4, $0x1;
	s23 =	simm.s32 $0x10C80;
	[smem:$0x7F8] =	sst s22  }
0x26: {  	s24 =	simm.s32 $0x11880;
	s25 =	simm.s32 $0x12080;
	[smem:$0x7F9] =	sst s23  }
0x27: {  	s26 =	simm.s32 $0x12880;
	s6 =	smul.u32 $0x380, s5;
	[smem:$0x7FB] =	sst s24  }
0x28: {  	s3 =	sadd.s32 s3, s5;
	s5 =	simm.s32 $0x9480;
	[smem:$0x7FC] =	sst s25  }
0x29: {  	s8 =	simm.s32 $0x11480;
	s9 =	simm.s32 $0x80;
	[smem:$0x7FD] =	sst s26  }
0x2a: {  	s11 =	simm.s32 $0x13480;
	s12 =	simm.s32 $0x13C80;
	s13 =	simm.s32 $0x14480  }
0x2b: {  	s14 =	simm.s32 $0x14C80;
	s15 =	simm.s32 $0x15080;
	s16 =	simm.s32 $0x15880  }
0x2c: {  	s17 =	simm.s32 $0x16080;
	s18 =	simm.s32 $0x16880;
	s19 =	simm.s32 $0x16C80  }
0x2d: {  	s21 =	simm.s32 $0x17C80;
	s22 =	simm.s32 $0x18480;
	s23 =	simm.s32 $0x18880  }
0x2e: {  	s24 =	simm.s32 $0x19080;
	s25 =	simm.s32 $0x19880;
	[dreg:$0x3] =	wrdreg s3  }
0x2f: {  	s26 =	simm.s32 $0x1A080;
	[dreg:$0x19] =	wrdreg s5;
	s3 =	sadd.s32 $0x1EC400, s1  }
0x30: {  	s5 =	sadd.s32 $0x1EC600, s1;
	[smem:$0x7FA] =	sst s8;
	s7 =	sadd.s32 s1, s6  }
0x31: {  	s8 =	simm.s32 $0x2;
	s6 =	simm.s32 $0x9C80;
	[dreg:$0x4] =	wrdreg s7  }
0x32: {  	v2 =	vlaneseq.u32;
	[dreg:$0x1a] =	wrdreg s6;
	s7 =	simm.s32 $0xA480;
	s6 =	sadd.s32 $0x1EC700, s1  }
0x33: {  	vm0 =	vmmov $0xffff;
	vm1 =	vmmov $0xff;
	v1 =	vshrl.u32 v2, $0x3;
	[dreg:$0x1b] =	wrdreg s7;
	s7 =	ssub.s32 s4, s20;
	s4 =	sadd.s32 $0x1EC500, s1  }
0x34: {  	v0 =	vand.u32 $0x7, v2;
	v2 =	vor.u32 $0x8, v2;
	v1 =	vmul.u32 $0x8, v1;
	s20 =	simm.s32 $0x17480;
	s1 =	simm.s32 $0x1;
	s7 =	smax.u32 s7, $0x1  }
.LBB2_1:
0x35: {  	s0 =	rddreg [dreg:$0x3]  }
0x36: {  	[tilespmem:s2], [sflag:$0x2] =	stream.linear.gather [hbm4b:s0+s2], $0x80, $0x38;
	[tilespmem:$0x1C080] =	vst v63  }
0x37: {  	_ =	swait.ge [sflag:s8], $0x80  }
0x38: {  	[sflag:s8] =	ssyncset.done $0x0  }
0x39: {  	[sflag:s8] =	ssyncadd.s32 $0xFFFFFF80  }
0x3a: {  	v3 =	vld [tilespmem:$0x0];
	_ =	sdelay $0x4  }
0x3b: {  	v4 =	vshrl.u32 v3, $0x3  }
0x3c: {  	v4 =	vmul.u32 $0x38, v4  }
0x3d: {  	v3 =	vand.u32 $0x7, v3  }
0x3e: {  	v3 =	vor.u32 v3, v4  }
0x3f: {  	v4 =	vperm.xlane v3, v0;
	_ =	sdelay $0x1  }
0x40: {  	v4 =	vadd.s32 v1, v4;
	_ =	sdelay $0x4  }
0x41: {  	[tilespmem:s9], [sflag:$0x1] =	stream.indirect_vreg.gather [hbm4b:s3+s2], $0x80, v4, vm0, $0xb8;
	[tilespmem:$0x1C080] =	vst v63  }
0x42: {  	s0 =	rddreg [dreg:$0x5];
	v3 =	vperm.xlane v3, v2  }
0x43: {  	[tilespmem:s0], [sflag:$0x1] =	stream.indirect_vreg.gather [hbm4b:s4+s2], $0x80, v4, vm0, $0xb8;
	[tilespmem:$0x1C080] =	vst v63  }
0x44: {  	s10 =	rddreg [dreg:$0x6];
	v3 =	vadd.s32 v1, v3  }
0x45: {  	[tilespmem:s10], [sflag:$0x1] =	stream.indirect_vreg.gather [hbm4b:s5+s2], $0x80, v4, vm0, $0xb8;
	[tilespmem:$0x1C080] =	vst v63  }
0x46: {  	s0 =	rddreg [dreg:$0x7]  }
0x47: {  	[tilespmem:s0], [sflag:$0x1] =	stream.indirect_vreg.gather [hbm4b:s6+s2], $0x80, v4, vm1, $0xb8;
	[tilespmem:$0x1C080] =	vst v63  }
0x48: {  	s10 =	rddreg [dreg:$0x8]  }
0x49: {  	[tilespmem:s10], [sflag:$0x1] =	stream.indirect_vreg.gather [hbm4b:s3+s2], $0x80, v3, vm0, $0xb8;
	[tilespmem:$0x1C080] =	vst v63  }
0x4a: {  	s0 =	rddreg [dreg:$0x9]  }
0x4b: {  	[tilespmem:s0], [sflag:$0x1] =	stream.indirect_vreg.gather [hbm4b:s4+s2], $0x80, v3, vm0, $0xb8;
	[tilespmem:$0x1C080] =	vst v63  }
0x4c: {  	s10 =	rddreg [dreg:$0xa]  }
0x4d: {  	[tilespmem:s10], [sflag:$0x1] =	stream.indirect_vreg.gather [hbm4b:s5+s2], $0x80, v3, vm0, $0xb8;
	[tilespmem:$0x1C080] =	vst v63  }
0x4e: {  	s0 =	rddreg [dreg:$0xb]  }
0x4f: {  	[tilespmem:s0], [sflag:$0x1] =	stream.indirect_vreg.gather [hbm4b:s6+s2], $0x80, v3, vm1, $0xb8;
	[tilespmem:$0x1C080] =	vst v63  }
0x50: {  	v3 =	vld [tilespmem:$0x10];
	_ =	sdelay $0x4  }
0x51: {  	v57 =	vshrl.u32 v3, $0x3  }
0x52: {  	v4 =	vmul.u32 $0x38, v57  }
0x53: {  	v3 =	vand.u32 $0x7, v3  }
0x54: {  	v3 =	vor.u32 v3, v4  }
0x55: {  	v4 =	vperm.xlane v3, v0;
	_ =	sdelay $0x1  }
0x56: {  	v4 =	vadd.s32 v1, v4;
	_ =	sdelay $0x3  }
0x57: {  	s0 =	rddreg [dreg:$0xc]  }
0x58: {  	[tilespmem:s0], [sflag:$0x1] =	stream.indirect_vreg.gather [hbm4b:s3+s2], $0x80, v4, vm0, $0xb8;
	[tilespmem:$0x1C080] =	vst v63  }
0x59: {  	s10 =	rddreg [dreg:$0xd];
	v3 =	vperm.xlane v3, v2  }
0x5a: {  	[tilespmem:s10], [sflag:$0x1] =	stream.indirect_vreg.gather [hbm4b:s4+s2], $0x80, v4, vm0, $0xb8;
	[tilespmem:$0x1C080] =	vst v63  }
0x5b: {  	v3 =	vadd.s32 v1, v3;
	s0 =	rddreg [dreg:$0xe]  }
0x5c: {  	[tilespmem:s0], [sflag:$0x1] =	stream.indirect_vreg.gather [hbm4b:s5+s2], $0x80, v4, vm0, $0xb8;
	[tilespmem:$0x1C080] =	vst v63  }
0x5d: {  	s10 =	rddreg [dreg:$0xf]  }
0x5e: {  	[tilespmem:s10], [sflag:$0x1] =	stream.indirect_vreg.gather [hbm4b:s6+s2], $0x80, v4, vm1, $0xb8;
	[tilespmem:$0x1C080] =	vst v63  }
0x5f: {  	s0 =	rddreg [dreg:$0x10]  }
0x60: {  	[tilespmem:s0], [sflag:$0x1] =	stream.indirect_vreg.gather [hbm4b:s3+s2], $0x80, v3, vm0, $0xb8;
	[tilespmem:$0x1C080] =	vst v63  }
0x61: {  	s10 =	rddreg [dreg:$0x11]  }
0x62: {  	[tilespmem:s10], [sflag:$0x1] =	stream.indirect_vreg.gather [hbm4b:s4+s2], $0x80, v3, vm0, $0xb8;
	[tilespmem:$0x1C080] =	vst v63  }
0x63: {  	s0 =	rddreg [dreg:$0x12]  }
0x64: {  	[tilespmem:s0], [sflag:$0x1] =	stream.indirect_vreg.gather [hbm4b:s5+s2], $0x80, v3, vm0, $0xb8;
	[tilespmem:$0x1C080] =	vst v63  }
0x65: {  	s10 =	rddreg [dreg:$0x13]  }
0x66: {  	[tilespmem:s10], [sflag:$0x1] =	stream.indirect_vreg.gather [hbm4b:s6+s2], $0x80, v3, vm1, $0xb8;
	[tilespmem:$0x1C080] =	vst v63  }
0x67: {  	v3 =	vld [tilespmem:$0x20];
	_ =	sdelay $0x4  }
0x68: {  	v58 =	vshrl.u32 v3, $0x3  }
0x69: {  	v4 =	vmul.u32 $0x38, v58  }
0x6a: {  	v3 =	vand.u32 $0x7, v3  }
0x6b: {  	v3 =	vor.u32 v3, v4  }
0x6c: {  	v4 =	vperm.xlane v3, v0;
	_ =	sdelay $0x1  }
0x6d: {  	v4 =	vadd.s32 v1, v4;
	_ =	sdelay $0x3  }
0x6e: {  	s0 =	rddreg [dreg:$0x14]  }
0x6f: {  	[tilespmem:s0], [sflag:$0x1] =	stream.indirect_vreg.gather [hbm4b:s3+s2], $0x80, v4, vm0, $0xb8;
	[tilespmem:$0x1C080] =	vst v63  }
0x70: {  	s10 =	rddreg [dreg:$0x15];
	v3 =	vperm.xlane v3, v2  }
0x71: {  	[tilespmem:s10], [sflag:$0x1] =	stream.indirect_vreg.gather [hbm4b:s4+s2], $0x80, v4, vm0, $0xb8;
	[tilespmem:$0x1C080] =	vst v63  }
0x72: {  	v3 =	vadd.s32 v1, v3;
	s0 =	rddreg [dreg:$0x16]  }
0x73: {  	[tilespmem:s0], [sflag:$0x1] =	stream.indirect_vreg.gather [hbm4b:s5+s2], $0x80, v4, vm0, $0xb8;
	[tilespmem:$0x1C080] =	vst v63  }
0x74: {  	s10 =	rddreg [dreg:$0x17]  }
0x75: {  	[tilespmem:s10], [sflag:$0x1] =	stream.indirect_vreg.gather [hbm4b:s6+s2], $0x80, v4, vm1, $0xb8;
	[tilespmem:$0x1C080] =	vst v63  }
0x76: {  	s0 =	rddreg [dreg:$0x18]  }
0x77: {  	[tilespmem:s0], [sflag:$0x1] =	stream.indirect_vreg.gather [hbm4b:s3+s2], $0x80, v3, vm0, $0xb8;
	[tilespmem:$0x1C080] =	vst v63  }
0x78: {  	s10 =	rddreg [dreg:$0x19]  }
0x79: {  	[tilespmem:s10], [sflag:$0x1] =	stream.indirect_vreg.gather [hbm4b:s4+s2], $0x80, v3, vm0, $0xb8;
	[tilespmem:$0x1C080] =	vst v63  }
0x7a: {  	s0 =	rddreg [dreg:$0x1a]  }
0x7b: {  	[tilespmem:s0], [sflag:$0x1] =	stream.indirect_vreg.gather [hbm4b:s5+s2], $0x80, v3, vm0, $0xb8;
	[tilespmem:$0x1C080] =	vst v63  }
0x7c: {  	s10 =	rddreg [dreg:$0x1b]  }
0x7d: {  	[tilespmem:s10], [sflag:$0x1] =	stream.indirect_vreg.gather [hbm4b:s6+s2], $0x80, v3, vm1, $0xb8;
	[tilespmem:$0x1C080] =	vst v63  }
0x7e: {  	v3 =	vld [tilespmem:$0x30];
	_ =	sdelay $0x4  }
0x7f: {  	v59 =	vshrl.u32 v3, $0x3  }
0x80: {  	v4 =	vmul.u32 $0x38, v59  }
0x81: {  	v3 =	vand.u32 $0x7, v3  }
0x82: {  	v3 =	vor.u32 v3, v4  }
0x83: {  	v4 =	vperm.xlane v3, v0;
	_ =	sdelay $0x1  }
0x84: {  	v4 =	vadd.s32 v1, v4;
	_ =	sdelay $0x2  }
0x85: {  	s0 =	rddreg [dreg:$0x1c]  }
0x86: {  	s10 =	rddreg [dreg:$0x1d]  }
0x87: {  	[tilespmem:s0], [sflag:$0x1] =	stream.indirect_vreg.gather [hbm4b:s3+s2], $0x80, v4, vm0, $0xb8;
	[tilespmem:$0x1C080] =	vst v63  }
0x88: {  	v3 =	vperm.xlane v3, v2;
	s0 =	rddreg [dreg:$0x1e]  }
0x89: {  	[tilespmem:s10], [sflag:$0x1] =	stream.indirect_vreg.gather [hbm4b:s4+s2], $0x80, v4, vm0, $0xb8;
	[tilespmem:$0x1C080] =	vst v63  }
0x8a: {  	v3 =	vadd.s32 v1, v3;
	s10 =	rddreg [dreg:$0x1f]  }
0x8b: {  	[tilespmem:s0], [sflag:$0x1] =	stream.indirect_vreg.gather [hbm4b:s5+s2], $0x80, v4, vm0, $0xb8;
	[tilespmem:$0x1C080] =	vst v63  }
0x8c: {  	s0 =	sld [smem:$0x7EF]  }
0x8d: {  	[tilespmem:s10], [sflag:$0x1] =	stream.indirect_vreg.gather [hbm4b:s6+s2], $0x80, v4, vm1, $0xb8;
	[tilespmem:$0x1C080] =	vst v63  }
0x8e: {  	s10 =	sld [smem:$0x7F0]  }
0x8f: {  	[tilespmem:s0], [sflag:$0x1] =	stream.indirect_vreg.gather [hbm4b:s3+s2], $0x80, v3, vm0, $0xb8;
	[tilespmem:$0x1C080] =	vst v63  }
0x90: {  	s0 =	sld [smem:$0x7F1]  }
0x91: {  	[tilespmem:s10], [sflag:$0x1] =	stream.indirect_vreg.gather [hbm4b:s4+s2], $0x80, v3, vm0, $0xb8;
	[tilespmem:$0x1C080] =	vst v63  }
0x92: {  	s10 =	sld [smem:$0x7F2]  }
0x93: {  	[tilespmem:s0], [sflag:$0x1] =	stream.indirect_vreg.gather [hbm4b:s5+s2], $0x80, v3, vm0, $0xb8;
	[tilespmem:$0x1C080] =	vst v63  }
0x94: {  	_ = 	snop  }
0x95: {  	[tilespmem:s10], [sflag:$0x1] =	stream.indirect_vreg.gather [hbm4b:s6+s2], $0x80, v3, vm1, $0xb8;
	[tilespmem:$0x1C080] =	vst v63  }
0x96: {  	v3 =	vld [tilespmem:$0x40];
	_ =	sdelay $0x4  }
0x97: {  	v60 =	vshrl.u32 v3, $0x3  }
0x98: {  	v4 =	vmul.u32 $0x38, v60  }
0x99: {  	v3 =	vand.u32 $0x7, v3  }
0x9a: {  	v3 =	vor.u32 v3, v4  }
0x9b: {  	v4 =	vperm.xlane v3, v0;
	_ =	sdelay $0x1  }
0x9c: {  	v4 =	vadd.s32 v1, v4;
	_ =	sdelay $0x1  }
0x9d: {  	s0 =	sld [smem:$0x7F3];
	_ =	sdelay $0x1  }
0x9e: {  	s10 =	sld [smem:$0x7F4]  }
0x9f: {  	[tilespmem:s0], [sflag:$0x1] =	stream.indirect_vreg.gather [hbm4b:s3+s2], $0x80, v4, vm0, $0xb8;
	[tilespmem:$0x1C080] =	vst v63  }
0xa0: {  	v3 =	vperm.xlane v3, v2;
	s0 =	sld [smem:$0x7F5]  }
0xa1: {  	[tilespmem:s10], [sflag:$0x1] =	stream.indirect_vreg.gather [hbm4b:s4+s2], $0x80, v4, vm0, $0xb8;
	[tilespmem:$0x1C080] =	vst v63  }
0xa2: {  	v3 =	vadd.s32 v1, v3;
	s10 =	sld [smem:$0x7F6]  }
0xa3: {  	[tilespmem:s0], [sflag:$0x1] =	stream.indirect_vreg.gather [hbm4b:s5+s2], $0x80, v4, vm0, $0xb8;
	[tilespmem:$0x1C080] =	vst v63  }
0xa4: {  	s0 =	sld [smem:$0x7F7]  }
0xa5: {  	[tilespmem:s10], [sflag:$0x1] =	stream.indirect_vreg.gather [hbm4b:s6+s2], $0x80, v4, vm1, $0xb8;
	[tilespmem:$0x1C080] =	vst v63  }
0xa6: {  	s10 =	sld [smem:$0x7F8]  }
0xa7: {  	[tilespmem:s0], [sflag:$0x1] =	stream.indirect_vreg.gather [hbm4b:s3+s2], $0x80, v3, vm0, $0xb8;
	[tilespmem:$0x1C080] =	vst v63  }
0xa8: {  	s0 =	sld [smem:$0x7F9]  }
0xa9: {  	[tilespmem:s10], [sflag:$0x1] =	stream.indirect_vreg.gather [hbm4b:s4+s2], $0x80, v3, vm0, $0xb8;
	[tilespmem:$0x1C080] =	vst v63  }
0xaa: {  	s10 =	sld [smem:$0x7FA]  }
0xab: {  	[tilespmem:s0], [sflag:$0x1] =	stream.indirect_vreg.gather [hbm4b:s5+s2], $0x80, v3, vm0, $0xb8;
	[tilespmem:$0x1C080] =	vst v63  }
0xac: {  	_ = 	snop  }
0xad: {  	[tilespmem:s10], [sflag:$0x1] =	stream.indirect_vreg.gather [hbm4b:s6+s2], $0x80, v3, vm1, $0xb8;
	[tilespmem:$0x1C080] =	vst v63  }
0xae: {  	v3 =	vld [tilespmem:$0x50];
	_ =	sdelay $0x4  }
0xaf: {  	v61 =	vshrl.u32 v3, $0x3  }
0xb0: {  	v4 =	vmul.u32 $0x38, v61  }
0xb1: {  	v3 =	vand.u32 $0x7, v3  }
0xb2: {  	v3 =	vor.u32 v3, v4  }
0xb3: {  	v4 =	vperm.xlane v3, v0;
	_ =	sdelay $0x1  }
0xb4: {  	v4 =	vadd.s32 v1, v4;
	_ =	sdelay $0x1  }
0xb5: {  	s0 =	sld [smem:$0x7FB];
	_ =	sdelay $0x1  }
0xb6: {  	s10 =	sld [smem:$0x7FC]  }
0xb7: {  	[tilespmem:s0], [sflag:$0x1] =	stream.indirect_vreg.gather [hbm4b:s3+s2], $0x80, v4, vm0, $0xb8;
	[tilespmem:$0x1C080] =	vst v63  }
0xb8: {  	v3 =	vperm.xlane v3, v2;
	s0 =	sld [smem:$0x7FD]  }
0xb9: {  	[tilespmem:s10], [sflag:$0x1] =	stream.indirect_vreg.gather [hbm4b:s4+s2], $0x80, v4, vm0, $0xb8;
	[tilespmem:$0x1C080] =	vst v63  }
0xba: {  	v3 =	vadd.s32 v1, v3  }
0xbb: {  	[tilespmem:s0], [sflag:$0x1] =	stream.indirect_vreg.gather [hbm4b:s5+s2], $0x80, v4, vm0, $0xb8;
	[tilespmem:$0x1C080] =	vst v63  }
0xbc: {  	s10 =	simm.s32 $0x13080  }
0xbd: {  	[tilespmem:s10], [sflag:$0x1] =	stream.indirect_vreg.gather [hbm4b:s6+s2], $0x80, v4, vm1, $0xb8;
	[tilespmem:$0x1C080] =	vst v63  }
0xbe: {  	_ = 	snop  }
0xbf: {  	[tilespmem:s11], [sflag:$0x1] =	stream.indirect_vreg.gather [hbm4b:s3+s2], $0x80, v3, vm0, $0xb8;
	[tilespmem:$0x1C080] =	vst v63  }
0xc0: {  	_ = 	snop  }
0xc1: {  	[tilespmem:s12], [sflag:$0x1] =	stream.indirect_vreg.gather [hbm4b:s4+s2], $0x80, v3, vm0, $0xb8;
	[tilespmem:$0x1C080] =	vst v63  }
0xc2: {  	_ = 	snop  }
0xc3: {  	[tilespmem:s13], [sflag:$0x1] =	stream.indirect_vreg.gather [hbm4b:s5+s2], $0x80, v3, vm0, $0xb8;
	[tilespmem:$0x1C080] =	vst v63  }
0xc4: {  	_ = 	snop  }
0xc5: {  	[tilespmem:s14], [sflag:$0x1] =	stream.indirect_vreg.gather [hbm4b:s6+s2], $0x80, v3, vm1, $0xb8;
	[tilespmem:$0x1C080] =	vst v63  }
0xc6: {  	v3 =	vld [tilespmem:$0x60];
	_ =	sdelay $0x4  }
0xc7: {  	v62 =	vshrl.u32 v3, $0x3  }
0xc8: {  	v4 =	vmul.u32 $0x38, v62  }
0xc9: {  	v3 =	vand.u32 $0x7, v3  }
0xca: {  	v3 =	vor.u32 v3, v4  }
0xcb: {  	v4 =	vperm.xlane v3, v0;
	_ =	sdelay $0x1  }
0xcc: {  	v4 =	vadd.s32 v1, v4;
	_ =	sdelay $0x4  }
0xcd: {  	[tilespmem:s15], [sflag:$0x1] =	stream.indirect_vreg.gather [hbm4b:s3+s2], $0x80, v4, vm0, $0xb8;
	[tilespmem:$0x1C080] =	vst v63  }
0xce: {  	v3 =	vperm.xlane v3, v2  }
0xcf: {  	[tilespmem:s16], [sflag:$0x1] =	stream.indirect_vreg.gather [hbm4b:s4+s2], $0x80, v4, vm0, $0xb8;
	[tilespmem:$0x1C080] =	vst v63  }
0xd0: {  	v3 =	vadd.s32 v1, v3  }
0xd1: {  	[tilespmem:s17], [sflag:$0x1] =	stream.indirect_vreg.gather [hbm4b:s5+s2], $0x80, v4, vm0, $0xb8;
	[tilespmem:$0x1C080] =	vst v63  }
0xd2: {  	_ = 	snop  }
0xd3: {  	[tilespmem:s18], [sflag:$0x1] =	stream.indirect_vreg.gather [hbm4b:s6+s2], $0x80, v4, vm1, $0xb8;
	[tilespmem:$0x1C080] =	vst v63  }
0xd4: {  	_ = 	snop  }
0xd5: {  	[tilespmem:s19], [sflag:$0x1] =	stream.indirect_vreg.gather [hbm4b:s3+s2], $0x80, v3, vm0, $0xb8;
	[tilespmem:$0x1C080] =	vst v63  }
0xd6: {  	_ = 	snop  }
0xd7: {  	[tilespmem:s20], [sflag:$0x1] =	stream.indirect_vreg.gather [hbm4b:s4+s2], $0x80, v3, vm0, $0xb8;
	[tilespmem:$0x1C080] =	vst v63  }
0xd8: {  	_ = 	snop  }
0xd9: {  	[tilespmem:s21], [sflag:$0x1] =	stream.indirect_vreg.gather [hbm4b:s5+s2], $0x80, v3, vm0, $0xb8;
	[tilespmem:$0x1C080] =	vst v63  }
0xda: {  	_ = 	snop  }
0xdb: {  	[tilespmem:s22], [sflag:$0x1] =	stream.indirect_vreg.gather [hbm4b:s6+s2], $0x80, v3, vm1, $0xb8;
	[tilespmem:$0x1C080] =	vst v63  }
0xdc: {  	v3 =	vld [tilespmem:$0x70];
	_ =	sdelay $0x4  }
0xdd: {  	v63 =	vshrl.u32 v3, $0x3  }
0xde: {  	v4 =	vmul.u32 $0x38, v63  }
0xdf: {  	v3 =	vand.u32 $0x7, v3  }
0xe0: {  	v3 =	vor.u32 v3, v4  }
0xe1: {  	v4 =	vperm.xlane v3, v0;
	_ =	sdelay $0x1  }
0xe2: {  	v4 =	vadd.s32 v1, v4;
	_ =	sdelay $0x4  }
0xe3: {  	[tilespmem:s23], [sflag:$0x1] =	stream.indirect_vreg.gather [hbm4b:s3+s2], $0x80, v4, vm0, $0xb8;
	[tilespmem:$0x1C080] =	vst v63  }
0xe4: {  	v3 =	vperm.xlane v3, v2  }
0xe5: {  	[tilespmem:s24], [sflag:$0x1] =	stream.indirect_vreg.gather [hbm4b:s4+s2], $0x80, v4, vm0, $0xb8;
	[tilespmem:$0x1C080] =	vst v63  }
0xe6: {  	v3 =	vadd.s32 v1, v3  }
0xe7: {  	[tilespmem:s25], [sflag:$0x1] =	stream.indirect_vreg.gather [hbm4b:s5+s2], $0x80, v4, vm0, $0xb8;
	[tilespmem:$0x1C080] =	vst v63  }
0xe8: {  	_ = 	snop  }
0xe9: {  	[tilespmem:s26], [sflag:$0x1] =	stream.indirect_vreg.gather [hbm4b:s6+s2], $0x80, v4, vm1, $0xb8;
	[tilespmem:$0x1C080] =	vst v63  }
0xea: {  	_ = 	snop  }
0xeb: {  	[tilespmem:s28], [sflag:$0x1] =	stream.indirect_vreg.gather [hbm4b:s3+s2], $0x80, v3, vm0, $0xb8;
	[tilespmem:$0x1C080] =	vst v63  }
0xec: {  	_ = 	snop  }
0xed: {  	[tilespmem:s29], [sflag:$0x1] =	stream.indirect_vreg.gather [hbm4b:s4+s2], $0x80, v3, vm0, $0xb8;
	[tilespmem:$0x1C080] =	vst v63  }
0xee: {  	_ = 	snop  }
0xef: {  	[tilespmem:s30], [sflag:$0x1] =	stream.indirect_vreg.gather [hbm4b:s5+s2], $0x80, v3, vm0, $0xb8;
	[tilespmem:$0x1C080] =	vst v63  }
0xf0: {  	_ = 	snop  }
0xf1: {  	[tilespmem:s31], [sflag:$0x1] =	stream.indirect_vreg.gather [hbm4b:s6+s2], $0x80, v3, vm1, $0xb8;
	[tilespmem:$0x1C080] =	vst v63  }
0xf2: {  	_ =	swait.ge [sflag:s1], $0x1C000  }
0xf3: {  	p0 =	sne.s32 s7, $0x1;
	[sflag:s1] =	ssyncset.done $0x0  }
.Ltmp0:
0xf4: {  	s10 =	rddreg [dreg:$0x4];
	[sflag:s1] =	ssyncadd.s32 $0xFFFE4000;
	(pc) =	sbr.rel @p0 .LBB2_1-.Ltmp0, $4  }
0xf5: {  	[hbm4b:s10+s2] =	stream.linear.scatter [tilespmem:s9], [sflag:$0x2], $0x1C000, $0x38;
	[tilespmem:$0x1C080] =	vst v63  }
0xf6: {  	_ =	swait.ge [sflag:s8], $0x1C000  }
0xf7: {  	[sflag:s8] =	ssyncset.done $0x0  }
0xf8: {  	s7 =	sadd.s32 $0xFFFFFFFF, s7;
	[sflag:s8] =	ssyncadd.s32 $0xFFFE4000  }
0xf9: {  	_ =	sfence.sel $0x180000  }
0xfa: {  	[bflag:$0x0] =	sbarrier.arrive $0xFFFF  }
0xfb: {  	_ =	strace $0x90000047  }
0xfc: {  	s0 =	stileid.u32;
	[bflag:$0x2] =	sbarrier.arrive $0xFFFF  }
0xfd: {  	p0 =	sne.s32 s0, $0x0;
	s0 =	rddreg [dreg:$0x2]  }
0xfe: {  	s0 =	sadd.s32 @!p0 $0x100000, s0  }
0xff: {  	[sflag:s0] =	ssyncadd.tile.s32 @!p0 $0x1;
	_ =	shalt  }
.Lfunc_end2:
_tile_overlayer_lowered:
.L_overlay_start_2:
0x100: {  	(tag) =	ssettag $0x2  }
0x101: {  	s0 =	rddreg [dreg:$0x0];
	s2 =	stileid.u32  }
0x102: {  	s1 =	rddreg [dreg:$0x1];
	p0 =	sne.s32 s2, $0x0  }
0x103: {  	s3 =	rddreg [dreg:$0x2];
	[bflag:$0x3] =	sbarrier.arrive $0xFFFF;
	s2 =	simm.s32 @!p0 $0x1C02  }
0x104: {  	[timem:s3], [sflag:s2] =	dma.local @!p0 [hbm:s0], s1  }
0x105: {  	s0 =	simm.s32 @!p0 $0x2  }
0x106: {  	_ =	swait.ge @!p0 [sflag:s0], s1  }
0x107: {  	s1 =	ssub.s32 @!p0 $0x0, s1;
	[sflag:s0] =	ssyncset.done @!p0 $0x0  }
0x108: {  	[sflag:s0] =	ssyncadd.s32 @!p0 s1  }
0x109: {  	[bflag:$0x3] =	sbarrier.arrive $0xFFFF  }
0x10a: {  	_ =	shalt  }

</sc_bundles>
